<compile_context>
chip_gen: v7x
topology: tpu7x:2x2x1
jax: 0.10.2.dev20260603
libtpu: 0.0.44.dev20260713+nightly
codegen_flags: <defaults>
</compile_context>

<pallas_src>
import functools

import jax
import jax.numpy as jnp
from jax import lax
from jax.experimental import pallas as pl
from jax.experimental.pallas import tpu as pltpu
from jax.experimental.pallas import tpu_sc as plsc

_GRID = 128
_NC = 9
_NS = 64
_NEAR = 0.1
_FAR = 4.0
_NRAYS = 4096
_BLK_R = 16
_NCORN = 8
_NPTS = _NRAYS * _NS
_B = _NPTS * _NCORN
_NW = 32
_CHUNK = 2048


def _prep_call(o, d):
    grid_n = _NRAYS // _BLK_R

    def body(o_ref, d_ref, idx_ref, w_ref, b_ref):
        o_b = o_ref[...]
        d_b = d_ref[...]
        tt = _NEAR + lax.broadcasted_iota(
            jnp.int32, (_BLK_R, _NS), 1).astype(jnp.float32) * (
            (_FAR - _NEAR) / (_NS - 1))
        fs, cs, fr = [], [], []
        for a in range(3):
            oa = o_b[:, a:a + 1]
            da = d_b[:, a:a + 1]
            pa = (oa + da * tt + 1.0) * (0.5 * (_GRID - 1))
            pc = jnp.clip(pa, 0.0, float(_GRID - 1))
            fa = jnp.floor(pc)
            fr.append(pc - fa)
            fi = fa.astype(jnp.int32)
            fs.append(fi)
            cs.append(jnp.minimum(fi + 1, _GRID - 1))
        idxs, ws = [], []
        for dx in (0, 1):
            X = fs[0] if dx == 0 else cs[0]
            wx = (1.0 - fr[0]) if dx == 0 else fr[0]
            for dy in (0, 1):
                Y = fs[1] if dy == 0 else cs[1]
                wy = (1.0 - fr[1]) if dy == 0 else fr[1]
                for dz in (0, 1):
                    Z = fs[2] if dz == 0 else cs[2]
                    wz = (1.0 - fr[2]) if dz == 0 else fr[2]
                    idxs.append((X * _GRID + Y) * _GRID + Z)
                    ws.append(wx * wy * wz)
        idx_ref[...] = jnp.stack(idxs, axis=0)
        w_ref[...] = jnp.stack(ws, axis=0)
        x, y, z = d_b[:, 0], d_b[:, 1], d_b[:, 2]
        c0 = 0.28209479177387814
        c1 = 0.4886025119029199
        b_ref[...] = jnp.stack([
            jnp.full_like(x, c0),
            -c1 * y,
            c1 * z,
            -c1 * x,
            1.0925484305920792 * x * y,
            -1.0925484305920792 * y * z,
            0.31539156525252005 * (2.0 * z * z - x * x - y * y),
            -1.0925484305920792 * x * z,
            0.5462742152960396 * (x * x - y * y),
        ], axis=-1)

    return pl.pallas_call(
        body,
        grid=(grid_n,),
        in_specs=[
            pl.BlockSpec((_BLK_R, 3), lambda i: (i, 0)),
            pl.BlockSpec((_BLK_R, 3), lambda i: (i, 0)),
        ],
        out_specs=[
            pl.BlockSpec((_NCORN, _BLK_R, _NS), lambda i: (0, i, 0)),
            pl.BlockSpec((_NCORN, _BLK_R, _NS), lambda i: (0, i, 0)),
            pl.BlockSpec((_BLK_R, _NC), lambda i: (i, 0)),
        ],
        out_shape=[
            jax.ShapeDtypeStruct((_NCORN, _NRAYS, _NS), jnp.int32),
            jax.ShapeDtypeStruct((_NCORN, _NRAYS, _NS), jnp.float32),
            jax.ShapeDtypeStruct((_NRAYS, _NC), jnp.float32),
        ],
    )(o, d)


def _pack_call(sh_tab, den_tab):
    blk = 8192
    grid_n = (_GRID ** 3) // blk

    def body(sh_ref, den_ref, out_ref):
        sh_b = sh_ref[...]
        den_b = den_ref[...]
        pad = jnp.zeros((blk, 4), jnp.float32)
        out_ref[...] = jnp.concatenate([sh_b, den_b, pad], axis=1)

    return pl.pallas_call(
        body,
        grid=(grid_n,),
        in_specs=[
            pl.BlockSpec((blk, 3 * _NC), lambda i: (i, 0)),
            pl.BlockSpec((blk, 1), lambda i: (i, 0)),
        ],
        out_specs=pl.BlockSpec((blk, 32), lambda i: (i, 0)),
        out_shape=jax.ShapeDtypeStruct((_GRID ** 3, 32), jnp.float32),
    )(sh_tab, den_tab)


def _sc_gather(idx_flat, tab):
    b_per_w = _B // _NW
    n_chunks = b_per_w // _CHUNK
    mesh = plsc.VectorSubcoreMesh(core_axis_name="c", subcore_axis_name="s")

    @functools.partial(
        pl.kernel, mesh=mesh,
        compiler_params=pltpu.CompilerParams(use_tc_tiling_on_sc=False),
        out_type=jax.ShapeDtypeStruct((_B, 32), jnp.float32),
        scratch_types=[
            pltpu.VMEM((_CHUNK,), jnp.int32),
            pltpu.VMEM((_CHUNK, 32), jnp.float32),
            pltpu.SemaphoreType.DMA,
        ],
    )
    def k(idx_hbm, tab_hbm, rows_out, idx_v, rows_v, sem1):
        wid = lax.axis_index("s") * 2 + lax.axis_index("c")
        base = wid * b_per_w

        def step(ci, carry):
            off = pl.multiple_of(base + ci * _CHUNK, _CHUNK)
            pltpu.sync_copy(idx_hbm.at[pl.ds(off, _CHUNK)], idx_v)
            pltpu.async_copy(tab_hbm.at[idx_v], rows_v, sem1).wait()
            pltpu.sync_copy(rows_v, rows_out.at[pl.ds(off, _CHUNK)])
            return carry

        lax.fori_loop(0, n_chunks, step, 0)

    return k(idx_flat, tab)


def _combine_call(rows, w8, basis):
    grid_n = _NRAYS // _BLK_R
    delta = (_FAR - _NEAR) / _NS

    def body(rows_ref, w_ref, b_ref, out_ref):
        rows_b = rows_ref[...]
        w_b = w_ref[...]
        b_b = b_ref[...]
        sh = jnp.sum(rows_b * w_b[..., None], axis=0)
        sigma = jnp.maximum(sh[:, :, 27], 0.0)
        alpha = 1.0 - jnp.exp(-sigma * delta)
        logs = jnp.log(1.0 - alpha + 1e-10)
        r_i = lax.broadcasted_iota(jnp.int32, (_NS, _NS), 0)
        c_i = lax.broadcasted_iota(jnp.int32, (_NS, _NS), 1)
        tri = (r_i < c_i).astype(jnp.float32)
        trans = jnp.exp(jnp.dot(logs, tri,
                                precision=jax.lax.Precision.HIGHEST,
                                preferred_element_type=jnp.float32))
        wts = alpha * trans
        outs = []
        for c in range(3):
            pre = jnp.sum(sh[:, :, _NC * c:_NC * (c + 1)] * b_b[:, None, :],
                          axis=-1)
            rgb_c = 1.0 / (1.0 + jnp.exp(-pre))
            outs.append(jnp.sum(wts * rgb_c, axis=-1))
        out_ref[...] = jnp.stack(outs, axis=-1)

    return pl.pallas_call(
        body,
        grid=(grid_n,),
        in_specs=[
            pl.BlockSpec((_NCORN, _BLK_R, _NS, 32), lambda i: (0, i, 0, 0)),
            pl.BlockSpec((_NCORN, _BLK_R, _NS), lambda i: (0, i, 0)),
            pl.BlockSpec((_BLK_R, _NC), lambda i: (i, 0)),
        ],
        out_specs=pl.BlockSpec((_BLK_R, 3), lambda i: (i, 0)),
        out_shape=jax.ShapeDtypeStruct((_NRAYS, 3), jnp.float32),
    )(rows, w8, basis)


def kernel(ray_origins, ray_directions, density_grid, sh_grid):
    sh_tab = sh_grid.reshape(_GRID ** 3, 3 * _NC)
    den_tab = density_grid.reshape(_GRID ** 3, 1)
    tab = _pack_call(sh_tab, den_tab)
    idx8, w8, basis = _prep_call(ray_origins, ray_directions)
    rows = _sc_gather(idx8.reshape(-1), tab)
    return _combine_call(
        rows.reshape(_NCORN, _NRAYS, _NS, 32),
        w8, basis)

# --- scband reference (transcript-rebuilt; emitter-appended) ---
"""Pipeline reference for scband-plenoxel-model-17514876634253 (READ-ONLY COPY).

The authoritative reference and input builder live on the scoring server;
editing this copy changes nothing except your own understanding.
"""

import jax, jax.numpy as jnp
import numpy as np

GRID = 128
N_COEFF = 9
N_SAMPLES = 64
NEAR = 0.1
FAR = 4.0
N_RAYS = 4096


def setup_inputs(seed: int = 0) -> dict:
    key = jax.random.key(seed)
    k1, k2, k3, k4 = jax.random.split(key, 4)
    ray_origins = (jax.random.uniform(k1, (N_RAYS, 3), dtype=jnp.float32) - 0.5) * 0.2
    d = jax.random.normal(k2, (N_RAYS, 3), dtype=jnp.float32)
    ray_directions = d / (jnp.linalg.norm(d, axis=-1, keepdims=True) + 1e-8)
    density_grid = jax.random.uniform(k3, (GRID, GRID, GRID), dtype=jnp.float32) * 0.5
    sh_grid = jax.random.normal(k4, (GRID, GRID, GRID, 3, N_COEFF), dtype=jnp.float32) * 0.1
    return {"ray_origins": ray_origins, "ray_directions": ray_directions,
            "density_grid": density_grid, "sh_grid": sh_grid}


def _sh_basis_deg2(dirs):
    x, y, z = dirs[..., 0], dirs[..., 1], dirs[..., 2]
    c0 = 0.28209479177387814
    c1 = 0.4886025119029199
    b = [
        jnp.full_like(x, c0),
        -c1 * y,
        c1 * z,
        -c1 * x,
        1.0925484305920792 * x * y,
        -1.0925484305920792 * y * z,
        0.31539156525252005 * (2.0 * z * z - x * x - y * y),
        -1.0925484305920792 * x * z,
        0.5462742152960396 * (x * x - y * y),
    ]
    return jnp.stack(b, axis=-1)


def _trilerp(grid, pts, has_channels):
    D, H, W = grid.shape[0], grid.shape[1], grid.shape[2]
    scale = jnp.array([D - 1, H - 1, W - 1], dtype=pts.dtype)
    p = (pts + 1.0) * 0.5 * scale
    pf = jnp.floor(p)
    frac = p - pf
    f = pf.astype(jnp.int32)
    c = jnp.ceil(p).astype(jnp.int32)

    def clamp(q):
        return jnp.stack([jnp.clip(q[..., 0], 0, D - 1),
                          jnp.clip(q[..., 1], 0, H - 1),
                          jnp.clip(q[..., 2], 0, W - 1)], axis=-1)

    f = clamp(f)
    c = clamp(c)
    x, y, z = frac[..., 0], frac[..., 1], frac[..., 2]
    acc = None
    for dx in (0, 1):
        ix = f[..., 0] if dx == 0 else c[..., 0]
        wx = (1.0 - x) if dx == 0 else x
        for dy in (0, 1):
            iy = f[..., 1] if dy == 0 else c[..., 1]
            wy = (1.0 - y) if dy == 0 else y
            for dz in (0, 1):
                iz = f[..., 2] if dz == 0 else c[..., 2]
                wz = (1.0 - z) if dz == 0 else z
                w = wx * wy * wz
                v = grid[ix, iy, iz]
                if has_channels:
                    w = w[..., None, None]
                term = w * v
                acc = term if acc is None else acc + term
    return acc


def reference(ray_origins, ray_directions, density_grid, sh_grid):
    t = jnp.linspace(NEAR, FAR, N_SAMPLES, dtype=ray_origins.dtype)
    pts = ray_origins[:, None, :] + ray_directions[:, None, :] * t[None, :, None]
    sigma = jax.nn.relu(_trilerp(density_grid, pts, False))
    sh = _trilerp(sh_grid, pts, True)
    basis = _sh_basis_deg2(ray_directions)
    rgb = jax.nn.sigmoid(jnp.sum(sh * basis[:, None, None, :], axis=-1))
    delta = (FAR - NEAR) / N_SAMPLES
    alpha = 1.0 - jnp.exp(-sigma * delta)
    trans = jnp.cumprod(1.0 - alpha + 1e-10, axis=-1)
    trans = jnp.concatenate([jnp.ones_like(trans[:, :1]), trans[:, :-1]], axis=-1)
    weights = alpha * trans
    rgb_out = jnp.sum(weights[..., None] * rgb, axis=1)
    return rgb_out

if __name__ == "__main__":
    import jax
    _d = setup_inputs()
    print(jax.jit(kernel)(*tuple(_d.values())))

</pallas_src>

<mosaic_0001>
#map = affine_map<(d0, d1) -> (0)>
#map1 = affine_map<(d0, d1) -> (0, 0)>
module attributes {stable_mosaic.version = 14 : i64} {
  func.func @k(%arg0: i32, %arg1: i32, %arg2: memref<2097152xi32, #tpu.memory_space<hbm>>, %arg3: memref<2097152x32xf32, #tpu.memory_space<hbm>>, %arg4: memref<2097152x32xf32, #tpu.memory_space<hbm>>, %arg5: memref<2048xi32, #tpu.memory_space<vmem>>, %arg6: memref<2048x32xf32, #tpu.memory_space<vmem>>, %arg7: memref<!tpu.dma_semaphore, #tpu.memory_space<semaphore_mem>>) attributes {dimension_semantics = [#tpu.dimension_semantics<core_parallel>, #tpu.dimension_semantics<subcore_parallel>], iteration_bounds = array<i64: 2, 16>, scalar_prefetch = 0 : i64, scratch_operands = 3 : i64, tpu.core_type = #tpu.core_type<sc_vector_subcore>, window_params = [{transform_indices = #map}, {transform_indices = #map1}, {transform_indices = #map1}]} {
    %mul3A = arith.constant 2 : i32
    %mul3A_0 = arith.muli %arg1, %mul3A : i32
    %add3A = arith.addi %mul3A_0, %arg0 : i32
    %mul3A_1 = arith.constant 65536 : i32
    %mul3A_2 = arith.muli %add3A, %mul3A_1 : i32
    %scan3A = arith.constant 0 : i32
    %scan3A_3 = arith.constant 0 : i32
    %scan3A_4 = arith.constant 32 : i32
    %scan3A_5 = arith.addi %scan3A_3, %scan3A_4 : i32
    %scan3A_6 = arith.constant 1 : i32
    scf.for %scan3A_8 = %scan3A_3 to %scan3A_5 step %scan3A_6  : i32 {
      %mul3A_9 = arith.constant 2048 : i32
      %mul3A_10 = arith.muli %scan3A_8, %mul3A_9 : i32
      %add3A_11 = arith.addi %mul3A_2, %mul3A_10 : i32
      %multiple_of3A = tpu.assume_multiple %add3A_11, 2048 : i32
      "tpu.region"() ({
        %run_scoped3A = tpu.sem_alloc : memref<!tpu.dma_semaphore, #tpu.memory_space<semaphore_mem>>
        %dma_start3A_16 = tpu.memref_slice %arg2[%multiple_of3A] : memref<2097152xi32, #tpu.memory_space<hbm>> -> memref<2048xi32, #tpu.memory_space<hbm>>
        %dma_start3A_17 = tpu.memref_slice %arg2[%multiple_of3A] : memref<2097152xi32, #tpu.memory_space<hbm>> -> memref<2048xi32, #tpu.memory_space<hbm>>
        tpu.enqueue_dma source(%dma_start3A_17 : memref<2048xi32, #tpu.memory_space<hbm>>) target(%arg5 : memref<2048xi32, #tpu.memory_space<vmem>>) target_semaphore(%run_scoped3A : memref<!tpu.dma_semaphore, #tpu.memory_space<semaphore_mem>>)
        %dma_wait3A_18 = tpu.memref_slice %arg2[%multiple_of3A] : memref<2097152xi32, #tpu.memory_space<hbm>> -> memref<2048xi32, #tpu.memory_space<hbm>>
        %dma_wait3A_19 = tpu.memref_slice %arg2[%multiple_of3A] : memref<2097152xi32, #tpu.memory_space<hbm>> -> memref<2048xi32, #tpu.memory_space<hbm>>
        tpu.wait_dma2 semaphore(%run_scoped3A : memref<!tpu.dma_semaphore, #tpu.memory_space<semaphore_mem>>) src(%dma_wait3A_19 : memref<2048xi32, #tpu.memory_space<hbm>>) dst(%arg5 : memref<2048xi32, #tpu.memory_space<vmem>>)
        tpu.yield
      }) : () -> ()
      %dma_start3A = arith.constant 0 : i32
      %dma_start3A_12 = arith.constant 0 : i32
      %dma_start3A_13 = tpu.memref_slice %arg3[%dma_start3A, %dma_start3A_12] : memref<2097152x32xf32, #tpu.memory_space<hbm>> -> memref<2097152x32xf32, #tpu.memory_space<hbm>>
      tpu.enqueue_indirect_dma source(%dma_start3A_13 : memref<2097152x32xf32, #tpu.memory_space<hbm>>) target(%arg6 : memref<2048x32xf32, #tpu.memory_space<vmem>>) offsets(%arg5 : memref<2048xi32, #tpu.memory_space<vmem>>) semaphore(%arg7 : memref<!tpu.dma_semaphore, #tpu.memory_space<semaphore_mem>>)
      %dma_wait3A = arith.constant 0 : i32
      %dma_wait3A_14 = arith.constant 0 : i32
      %dma_wait3A_15 = tpu.memref_slice %arg3[%dma_wait3A, %dma_wait3A_14] : memref<2097152x32xf32, #tpu.memory_space<hbm>> -> memref<2097152x32xf32, #tpu.memory_space<hbm>>
      tpu.wait_indirect_dma semaphore(%arg7 : memref<!tpu.dma_semaphore, #tpu.memory_space<semaphore_mem>>) src(%dma_wait3A_15 : memref<2097152x32xf32, #tpu.memory_space<hbm>>) dst(%arg6 : memref<2048x32xf32, #tpu.memory_space<vmem>>)
      "tpu.region"() ({
        %run_scoped3A = tpu.sem_alloc : memref<!tpu.dma_semaphore, #tpu.memory_space<semaphore_mem>>
        %dma_start3A_16 = arith.constant 0 : i32
        %dma_start3A_17 = tpu.memref_slice %arg4[%multiple_of3A, %dma_start3A_16] : memref<2097152x32xf32, #tpu.memory_space<hbm>> -> memref<2048x32xf32, #tpu.memory_space<hbm>>
        %dma_start3A_18 = arith.constant 0 : i32
        %dma_start3A_19 = tpu.memref_slice %arg4[%multiple_of3A, %dma_start3A_18] : memref<2097152x32xf32, #tpu.memory_space<hbm>> -> memref<2048x32xf32, #tpu.memory_space<hbm>>
        tpu.enqueue_dma source(%arg6 : memref<2048x32xf32, #tpu.memory_space<vmem>>) target(%dma_start3A_19 : memref<2048x32xf32, #tpu.memory_space<hbm>>) target_semaphore(%run_scoped3A : memref<!tpu.dma_semaphore, #tpu.memory_space<semaphore_mem>>)
        %dma_wait3A_20 = arith.constant 0 : i32
        %dma_wait3A_21 = tpu.memref_slice %arg4[%multiple_of3A, %dma_wait3A_20] : memref<2097152x32xf32, #tpu.memory_space<hbm>> -> memref<2048x32xf32, #tpu.memory_space<hbm>>
        %dma_wait3A_22 = arith.constant 0 : i32
        %dma_wait3A_23 = tpu.memref_slice %arg4[%multiple_of3A, %dma_wait3A_22] : memref<2097152x32xf32, #tpu.memory_space<hbm>> -> memref<2048x32xf32, #tpu.memory_space<hbm>>
        tpu.wait_dma2 semaphore(%run_scoped3A : memref<!tpu.dma_semaphore, #tpu.memory_space<semaphore_mem>>) src(%arg6 : memref<2048x32xf32, #tpu.memory_space<vmem>>) dst(%dma_wait3A_23 : memref<2048x32xf32, #tpu.memory_space<hbm>>)
        tpu.yield
      }) : () -> ()
    }
    %scan3A_7 = arith.constant 32 : i32
    return
  }
}

module attributes {stable_mosaic.version = 14 : i64} {
  func.func @body(%arg0: i32, %arg1: memref<16x3xf32, #tpu.memory_space<vmem>>, %arg2: memref<16x3xf32, #tpu.memory_space<vmem>>, %arg3: memref<8x16x64xi32, #tpu.memory_space<vmem>>, %arg4: memref<8x16x64xf32, #tpu.memory_space<vmem>>, %arg5: memref<16x9xf32, #tpu.memory_space<vmem>>) attributes {dimension_semantics = [#tpu.dimension_semantics<arbitrary>], iteration_bounds = array<i64: 256>, scalar_prefetch = 0 : i64, scratch_operands = 0 : i64, tpu.core_type = #tpu.core_type<tc>, window_params = [{transform_indices = @transform_0, window_bounds = array<i64: 16, 3>}, {transform_indices = @transform_1, window_bounds = array<i64: 16, 3>}, {transform_indices = @transform_2, window_bounds = array<i64: 8, 16, 64>}, {transform_indices = @transform_3, window_bounds = array<i64: 8, 16, 64>}, {transform_indices = @transform_4, window_bounds = array<i64: 16, 9>}]} {
    %get3A = arith.constant 0 : index
    %get3A_0 = arith.constant 0 : index
    %get3A_1 = vector.load %arg1[%get3A, %get3A_0] : memref<16x3xf32, #tpu.memory_space<vmem>>, vector<16x3xf32>
    %get3A_2 = arith.constant 0 : index
    %get3A_3 = arith.constant 0 : index
    %get3A_4 = vector.load %arg2[%get3A_2, %get3A_3] : memref<16x3xf32, #tpu.memory_space<vmem>>, vector<16x3xf32>
    %iota3A = tpu.iota {dimensions = array<i32: 1>} : vector<16x64xi32>
    %convert_element_type3A = arith.sitofp %iota3A : vector<16x64xi32> to vector<16x64xf32>
    %mul3A = arith.constant 0.0619047619 : f32
    %mul3A_5 = vector.broadcast %mul3A : f32 to vector<16x64xf32>
    %mul3A_6 = arith.mulf %convert_element_type3A, %mul3A_5 : vector<16x64xf32>
    %add3A = arith.constant 1.000000e-01 : f32
    %add3A_7 = vector.broadcast %add3A : f32 to vector<16x64xf32>
    %add3A_8 = arith.addf %add3A_7, %mul3A_6 : vector<16x64xf32>
    %slice3A = vector.extract_strided_slice %get3A_1 {offsets = [0, 0], sizes = [16, 1], strides = [1, 1]} : vector<16x3xf32> to vector<16x1xf32>
    %slice3A_9 = vector.extract_strided_slice %get3A_4 {offsets = [0, 0], sizes = [16, 1], strides = [1, 1]} : vector<16x3xf32> to vector<16x1xf32>
    %mul3A_10 = vector.broadcast %slice3A_9 : vector<16x1xf32> to vector<16x64xf32>
    %mul3A_11 = arith.mulf %mul3A_10, %add3A_8 : vector<16x64xf32>
    %add3A_12 = vector.broadcast %slice3A : vector<16x1xf32> to vector<16x64xf32>
    %add3A_13 = arith.addf %add3A_12, %mul3A_11 : vector<16x64xf32>
    %add3A_14 = arith.constant 1.000000e+00 : f32
    %add3A_15 = vector.broadcast %add3A_14 : f32 to vector<16x64xf32>
    %add3A_16 = arith.addf %add3A_13, %add3A_15 : vector<16x64xf32>
    %mul3A_17 = arith.constant 6.350000e+01 : f32
    %mul3A_18 = vector.broadcast %mul3A_17 : f32 to vector<16x64xf32>
    %mul3A_19 = arith.mulf %add3A_16, %mul3A_18 : vector<16x64xf32>
    %jit3A = arith.constant 0.000000e+00 : f32
    %jit3A_20 = arith.constant 1.270000e+02 : f32
    %max3A = vector.broadcast %jit3A : f32 to vector<16x64xf32>
    %max3A_21 = arith.maximumf %max3A, %mul3A_19 : vector<16x64xf32>
    %min3A = vector.broadcast %jit3A_20 : f32 to vector<16x64xf32>
    %min3A_22 = arith.minimumf %min3A, %max3A_21 : vector<16x64xf32>
    %floor3A = math.floor %min3A_22 : vector<16x64xf32>
    %sub3A = arith.subf %min3A_22, %floor3A : vector<16x64xf32>
    %convert_element_type3A_23 = arith.fptosi %floor3A : vector<16x64xf32> to vector<16x64xi32>
    %add3A_24 = arith.constant 1 : i32
    %add3A_25 = vector.broadcast %add3A_24 : i32 to vector<16x64xi32>
    %add3A_26 = arith.addi %convert_element_type3A_23, %add3A_25 : vector<16x64xi32>
    %min3A_27 = arith.constant 127 : i32
    %min3A_28 = vector.broadcast %min3A_27 : i32 to vector<16x64xi32>
    %min3A_29 = arith.minsi %add3A_26, %min3A_28 : vector<16x64xi32>
    %slice3A_30 = vector.extract_strided_slice %get3A_1 {offsets = [0, 1], sizes = [16, 1], strides = [1, 1]} : vector<16x3xf32> to vector<16x1xf32>
    %slice3A_31 = vector.extract_strided_slice %get3A_4 {offsets = [0, 1], sizes = [16, 1], strides = [1, 1]} : vector<16x3xf32> to vector<16x1xf32>
    %mul3A_32 = vector.broadcast %slice3A_31 : vector<16x1xf32> to vector<16x64xf32>
    %mul3A_33 = arith.mulf %mul3A_32, %add3A_8 : vector<16x64xf32>
    %add3A_34 = vector.broadcast %slice3A_30 : vector<16x1xf32> to vector<16x64xf32>
    %add3A_35 = arith.addf %add3A_34, %mul3A_33 : vector<16x64xf32>
    %add3A_36 = arith.constant 1.000000e+00 : f32
    %add3A_37 = vector.broadcast %add3A_36 : f32 to vector<16x64xf32>
    %add3A_38 = arith.addf %add3A_35, %add3A_37 : vector<16x64xf32>
    %mul3A_39 = arith.constant 6.350000e+01 : f32
    %mul3A_40 = vector.broadcast %mul3A_39 : f32 to vector<16x64xf32>
    %mul3A_41 = arith.mulf %add3A_38, %mul3A_40 : vector<16x64xf32>
    %jit3A_42 = arith.constant 0.000000e+00 : f32
    %jit3A_43 = arith.constant 1.270000e+02 : f32
    %max3A_44 = vector.broadcast %jit3A_42 : f32 to vector<16x64xf32>
    %max3A_45 = arith.maximumf %max3A_44, %mul3A_41 : vector<16x64xf32>
    %min3A_46 = vector.broadcast %jit3A_43 : f32 to vector<16x64xf32>
    %min3A_47 = arith.minimumf %min3A_46, %max3A_45 : vector<16x64xf32>
    %floor3A_48 = math.floor %min3A_47 : vector<16x64xf32>
    %sub3A_49 = arith.subf %min3A_47, %floor3A_48 : vector<16x64xf32>
    %convert_element_type3A_50 = arith.fptosi %floor3A_48 : vector<16x64xf32> to vector<16x64xi32>
    %add3A_51 = arith.constant 1 : i32
    %add3A_52 = vector.broadcast %add3A_51 : i32 to vector<16x64xi32>
    %add3A_53 = arith.addi %convert_element_type3A_50, %add3A_52 : vector<16x64xi32>
    %min3A_54 = arith.constant 127 : i32
    %min3A_55 = vector.broadcast %min3A_54 : i32 to vector<16x64xi32>
    %min3A_56 = arith.minsi %add3A_53, %min3A_55 : vector<16x64xi32>
    %slice3A_57 = vector.extract_strided_slice %get3A_1 {offsets = [0, 2], sizes = [16, 1], strides = [1, 1]} : vector<16x3xf32> to vector<16x1xf32>
    %slice3A_58 = vector.extract_strided_slice %get3A_4 {offsets = [0, 2], sizes = [16, 1], strides = [1, 1]} : vector<16x3xf32> to vector<16x1xf32>
    %mul3A_59 = vector.broadcast %slice3A_58 : vector<16x1xf32> to vector<16x64xf32>
    %mul3A_60 = arith.mulf %mul3A_59, %add3A_8 : vector<16x64xf32>
    %add3A_61 = vector.broadcast %slice3A_57 : vector<16x1xf32> to vector<16x64xf32>
    %add3A_62 = arith.addf %add3A_61, %mul3A_60 : vector<16x64xf32>
    %add3A_63 = arith.constant 1.000000e+00 : f32
    %add3A_64 = vector.broadcast %add3A_63 : f32 to vector<16x64xf32>
    %add3A_65 = arith.addf %add3A_62, %add3A_64 : vector<16x64xf32>
    %mul3A_66 = arith.constant 6.350000e+01 : f32
    %mul3A_67 = vector.broadcast %mul3A_66 : f32 to vector<16x64xf32>
    %mul3A_68 = arith.mulf %add3A_65, %mul3A_67 : vector<16x64xf32>
    %jit3A_69 = arith.constant 0.000000e+00 : f32
    %jit3A_70 = arith.constant 1.270000e+02 : f32
    %max3A_71 = vector.broadcast %jit3A_69 : f32 to vector<16x64xf32>
    %max3A_72 = arith.maximumf %max3A_71, %mul3A_68 : vector<16x64xf32>
    %min3A_73 = vector.broadcast %jit3A_70 : f32 to vector<16x64xf32>
    %min3A_74 = arith.minimumf %min3A_73, %max3A_72 : vector<16x64xf32>
    %floor3A_75 = math.floor %min3A_74 : vector<16x64xf32>
    %sub3A_76 = arith.subf %min3A_74, %floor3A_75 : vector<16x64xf32>
    %convert_element_type3A_77 = arith.fptosi %floor3A_75 : vector<16x64xf32> to vector<16x64xi32>
    %add3A_78 = arith.constant 1 : i32
    %add3A_79 = vector.broadcast %add3A_78 : i32 to vector<16x64xi32>
    %add3A_80 = arith.addi %convert_element_type3A_77, %add3A_79 : vector<16x64xi32>
    %min3A_81 = arith.constant 127 : i32
    %min3A_82 = vector.broadcast %min3A_81 : i32 to vector<16x64xi32>
    %min3A_83 = arith.minsi %add3A_80, %min3A_82 : vector<16x64xi32>
    %sub3A_84 = arith.constant 1.000000e+00 : f32
    %sub3A_85 = vector.broadcast %sub3A_84 : f32 to vector<16x64xf32>
    %sub3A_86 = arith.subf %sub3A_85, %sub3A : vector<16x64xf32>
    %sub3A_87 = arith.constant 1.000000e+00 : f32
    %sub3A_88 = vector.broadcast %sub3A_87 : f32 to vector<16x64xf32>
    %sub3A_89 = arith.subf %sub3A_88, %sub3A_49 : vector<16x64xf32>
    %sub3A_90 = arith.constant 1.000000e+00 : f32
    %sub3A_91 = vector.broadcast %sub3A_90 : f32 to vector<16x64xf32>
    %sub3A_92 = arith.subf %sub3A_91, %sub3A_76 : vector<16x64xf32>
    %mul3A_93 = arith.constant 128 : i32
    %mul3A_94 = vector.broadcast %mul3A_93 : i32 to vector<16x64xi32>
    %mul3A_95 = arith.muli %convert_element_type3A_23, %mul3A_94 : vector<16x64xi32>
    %add3A_96 = arith.addi %mul3A_95, %convert_element_type3A_50 : vector<16x64xi32>
    %mul3A_97 = arith.constant 128 : i32
    %mul3A_98 = vector.broadcast %mul3A_97 : i32 to vector<16x64xi32>
    %mul3A_99 = arith.muli %add3A_96, %mul3A_98 : vector<16x64xi32>
    %add3A_100 = arith.addi %mul3A_99, %convert_element_type3A_77 : vector<16x64xi32>
    %mul3A_101 = arith.mulf %sub3A_86, %sub3A_89 : vector<16x64xf32>
    %mul3A_102 = arith.mulf %mul3A_101, %sub3A_92 : vector<16x64xf32>
    %mul3A_103 = arith.constant 128 : i32
    %mul3A_104 = vector.broadcast %mul3A_103 : i32 to vector<16x64xi32>
    %mul3A_105 = arith.muli %convert_element_type3A_23, %mul3A_104 : vector<16x64xi32>
    %add3A_106 = arith.addi %mul3A_105, %convert_element_type3A_50 : vector<16x64xi32>
    %mul3A_107 = arith.constant 128 : i32
    %mul3A_108 = vector.broadcast %mul3A_107 : i32 to vector<16x64xi32>
    %mul3A_109 = arith.muli %add3A_106, %mul3A_108 : vector<16x64xi32>
    %add3A_110 = arith.addi %mul3A_109, %min3A_83 : vector<16x64xi32>
    %mul3A_111 = arith.mulf %sub3A_86, %sub3A_89 : vector<16x64xf32>
    %mul3A_112 = arith.mulf %mul3A_111, %sub3A_76 : vector<16x64xf32>
    %sub3A_113 = arith.constant 1.000000e+00 : f32
    %sub3A_114 = vector.broadcast %sub3A_113 : f32 to vector<16x64xf32>
    %sub3A_115 = arith.subf %sub3A_114, %sub3A_76 : vector<16x64xf32>
    %mul3A_116 = arith.constant 128 : i32
    %mul3A_117 = vector.broadcast %mul3A_116 : i32 to vector<16x64xi32>
    %mul3A_118 = arith.muli %convert_element_type3A_23, %mul3A_117 : vector<16x64xi32>
    %add3A_119 = arith.addi %mul3A_118, %min3A_56 : vector<16x64xi32>
    %mul3A_120 = arith.constant 128 : i32
    %mul3A_121 = vector.broadcast %mul3A_120 : i32 to vector<16x64xi32>
    %mul3A_122 = arith.muli %add3A_119, %mul3A_121 : vector<16x64xi32>
    %add3A_123 = arith.addi %mul3A_122, %convert_element_type3A_77 : vector<16x64xi32>
    %mul3A_124 = arith.mulf %sub3A_86, %sub3A_49 : vector<16x64xf32>
    %mul3A_125 = arith.mulf %mul3A_124, %sub3A_115 : vector<16x64xf32>
    %mul3A_126 = arith.constant 128 : i32
    %mul3A_127 = vector.broadcast %mul3A_126 : i32 to vector<16x64xi32>
    %mul3A_128 = arith.muli %convert_element_type3A_23, %mul3A_127 : vector<16x64xi32>
    %add3A_129 = arith.addi %mul3A_128, %min3A_56 : vector<16x64xi32>
    %mul3A_130 = arith.constant 128 : i32
    %mul3A_131 = vector.broadcast %mul3A_130 : i32 to vector<16x64xi32>
    %mul3A_132 = arith.muli %add3A_129, %mul3A_131 : vector<16x64xi32>
    %add3A_133 = arith.addi %mul3A_132, %min3A_83 : vector<16x64xi32>
    %mul3A_134 = arith.mulf %sub3A_86, %sub3A_49 : vector<16x64xf32>
    %mul3A_135 = arith.mulf %mul3A_134, %sub3A_76 : vector<16x64xf32>
    %sub3A_136 = arith.constant 1.000000e+00 : f32
    %sub3A_137 = vector.broadcast %sub3A_136 : f32 to vector<16x64xf32>
    %sub3A_138 = arith.subf %sub3A_137, %sub3A_49 : vector<16x64xf32>
    %sub3A_139 = arith.constant 1.000000e+00 : f32
    %sub3A_140 = vector.broadcast %sub3A_139 : f32 to vector<16x64xf32>
    %sub3A_141 = arith.subf %sub3A_140, %sub3A_76 : vector<16x64xf32>
    %mul3A_142 = arith.constant 128 : i32
    %mul3A_143 = vector.broadcast %mul3A_142 : i32 to vector<16x64xi32>
    %mul3A_144 = arith.muli %min3A_29, %mul3A_143 : vector<16x64xi32>
    %add3A_145 = arith.addi %mul3A_144, %convert_element_type3A_50 : vector<16x64xi32>
    %mul3A_146 = arith.constant 128 : i32
    %mul3A_147 = vector.broadcast %mul3A_146 : i32 to vector<16x64xi32>
    %mul3A_148 = arith.muli %add3A_145, %mul3A_147 : vector<16x64xi32>
    %add3A_149 = arith.addi %mul3A_148, %convert_element_type3A_77 : vector<16x64xi32>
    %mul3A_150 = arith.mulf %sub3A, %sub3A_138 : vector<16x64xf32>
    %mul3A_151 = arith.mulf %mul3A_150, %sub3A_141 : vector<16x64xf32>
    %mul3A_152 = arith.constant 128 : i32
    %mul3A_153 = vector.broadcast %mul3A_152 : i32 to vector<16x64xi32>
    %mul3A_154 = arith.muli %min3A_29, %mul3A_153 : vector<16x64xi32>
    %add3A_155 = arith.addi %mul3A_154, %convert_element_type3A_50 : vector<16x64xi32>
    %mul3A_156 = arith.constant 128 : i32
    %mul3A_157 = vector.broadcast %mul3A_156 : i32 to vector<16x64xi32>
    %mul3A_158 = arith.muli %add3A_155, %mul3A_157 : vector<16x64xi32>
    %add3A_159 = arith.addi %mul3A_158, %min3A_83 : vector<16x64xi32>
    %mul3A_160 = arith.mulf %sub3A, %sub3A_138 : vector<16x64xf32>
    %mul3A_161 = arith.mulf %mul3A_160, %sub3A_76 : vector<16x64xf32>
    %sub3A_162 = arith.constant 1.000000e+00 : f32
    %sub3A_163 = vector.broadcast %sub3A_162 : f32 to vector<16x64xf32>
    %sub3A_164 = arith.subf %sub3A_163, %sub3A_76 : vector<16x64xf32>
    %mul3A_165 = arith.constant 128 : i32
    %mul3A_166 = vector.broadcast %mul3A_165 : i32 to vector<16x64xi32>
    %mul3A_167 = arith.muli %min3A_29, %mul3A_166 : vector<16x64xi32>
    %add3A_168 = arith.addi %mul3A_167, %min3A_56 : vector<16x64xi32>
    %mul3A_169 = arith.constant 128 : i32
    %mul3A_170 = vector.broadcast %mul3A_169 : i32 to vector<16x64xi32>
    %mul3A_171 = arith.muli %add3A_168, %mul3A_170 : vector<16x64xi32>
    %add3A_172 = arith.addi %mul3A_171, %convert_element_type3A_77 : vector<16x64xi32>
    %mul3A_173 = arith.mulf %sub3A, %sub3A_49 : vector<16x64xf32>
    %mul3A_174 = arith.mulf %mul3A_173, %sub3A_164 : vector<16x64xf32>
    %mul3A_175 = arith.constant 128 : i32
    %mul3A_176 = vector.broadcast %mul3A_175 : i32 to vector<16x64xi32>
    %mul3A_177 = arith.muli %min3A_29, %mul3A_176 : vector<16x64xi32>
    %add3A_178 = arith.addi %mul3A_177, %min3A_56 : vector<16x64xi32>
    %mul3A_179 = arith.constant 128 : i32
    %mul3A_180 = vector.broadcast %mul3A_179 : i32 to vector<16x64xi32>
    %mul3A_181 = arith.muli %add3A_178, %mul3A_180 : vector<16x64xi32>
    %add3A_182 = arith.addi %mul3A_181, %min3A_83 : vector<16x64xi32>
    %mul3A_183 = arith.mulf %sub3A, %sub3A_49 : vector<16x64xf32>
    %mul3A_184 = arith.mulf %mul3A_183, %sub3A_76 : vector<16x64xf32>
    %stack3A = vector.shape_cast %add3A_100 : vector<16x64xi32> to vector<1x16x64xi32>
    %stack3A_185 = vector.shape_cast %add3A_110 : vector<16x64xi32> to vector<1x16x64xi32>
    %stack3A_186 = vector.shape_cast %add3A_123 : vector<16x64xi32> to vector<1x16x64xi32>
    %stack3A_187 = vector.shape_cast %add3A_133 : vector<16x64xi32> to vector<1x16x64xi32>
    %stack3A_188 = vector.shape_cast %add3A_149 : vector<16x64xi32> to vector<1x16x64xi32>
    %stack3A_189 = vector.shape_cast %add3A_159 : vector<16x64xi32> to vector<1x16x64xi32>
    %stack3A_190 = vector.shape_cast %add3A_172 : vector<16x64xi32> to vector<1x16x64xi32>
    %stack3A_191 = vector.shape_cast %add3A_182 : vector<16x64xi32> to vector<1x16x64xi32>
    %stack3A_192 = tpu.concatenate %stack3A, %stack3A_185, %stack3A_186, %stack3A_187, %stack3A_188, %stack3A_189, %stack3A_190, %stack3A_191 in 0 : vector<1x16x64xi32>, vector<1x16x64xi32>, vector<1x16x64xi32>, vector<1x16x64xi32>, vector<1x16x64xi32>, vector<1x16x64xi32>, vector<1x16x64xi32>, vector<1x16x64xi32> -> vector<8x16x64xi32>
    %swap3A = arith.constant 0 : index
    %swap3A_193 = arith.constant 0 : index
    %swap3A_194 = arith.constant 0 : index
    %swap3A_195 = vector.load %arg3[%swap3A, %swap3A_193, %swap3A_194] : memref<8x16x64xi32, #tpu.memory_space<vmem>>, vector<8x16x64xi32>
    tpu.vector_store %arg3[%swap3A, %swap3A_193, %swap3A_194], %stack3A_192 {strides = array<i32>} : memref<8x16x64xi32, #tpu.memory_space<vmem>>, vector<8x16x64xi32>,
    %stack3A_196 = vector.shape_cast %mul3A_102 : vector<16x64xf32> to vector<1x16x64xf32>
    %stack3A_197 = vector.shape_cast %mul3A_112 : vector<16x64xf32> to vector<1x16x64xf32>
    %stack3A_198 = vector.shape_cast %mul3A_125 : vector<16x64xf32> to vector<1x16x64xf32>
    %stack3A_199 = vector.shape_cast %mul3A_135 : vector<16x64xf32> to vector<1x16x64xf32>
    %stack3A_200 = vector.shape_cast %mul3A_151 : vector<16x64xf32> to vector<1x16x64xf32>
    %stack3A_201 = vector.shape_cast %mul3A_161 : vector<16x64xf32> to vector<1x16x64xf32>
    %stack3A_202 = vector.shape_cast %mul3A_174 : vector<16x64xf32> to vector<1x16x64xf32>
    %stack3A_203 = vector.shape_cast %mul3A_184 : vector<16x64xf32> to vector<1x16x64xf32>
    %stack3A_204 = tpu.concatenate %stack3A_196, %stack3A_197, %stack3A_198, %stack3A_199, %stack3A_200, %stack3A_201, %stack3A_202, %stack3A_203 in 0 : vector<1x16x64xf32>, vector<1x16x64xf32>, vector<1x16x64xf32>, vector<1x16x64xf32>, vector<1x16x64xf32>, vector<1x16x64xf32>, vector<1x16x64xf32>, vector<1x16x64xf32> -> vector<8x16x64xf32>
    %swap3A_205 = arith.constant 0 : index
    %swap3A_206 = arith.constant 0 : index
    %swap3A_207 = arith.constant 0 : index
    %swap3A_208 = vector.load %arg4[%swap3A_205, %swap3A_206, %swap3A_207] : memref<8x16x64xf32, #tpu.memory_space<vmem>>, vector<8x16x64xf32>
    tpu.vector_store %arg4[%swap3A_205, %swap3A_206, %swap3A_207], %stack3A_204 {strides = array<i32>} : memref<8x16x64xf32, #tpu.memory_space<vmem>>, vector<8x16x64xf32>,
    %slice3A_209 = vector.extract_strided_slice %get3A_4 {offsets = [0, 0], sizes = [16, 1], strides = [1, 1]} : vector<16x3xf32> to vector<16x1xf32>
    %squeeze3A = vector.shape_cast %slice3A_209 : vector<16x1xf32> to vector<16xf32>
    %slice3A_210 = vector.extract_strided_slice %get3A_4 {offsets = [0, 1], sizes = [16, 1], strides = [1, 1]} : vector<16x3xf32> to vector<16x1xf32>
    %squeeze3A_211 = vector.shape_cast %slice3A_210 : vector<16x1xf32> to vector<16xf32>
    %slice3A_212 = vector.extract_strided_slice %get3A_4 {offsets = [0, 2], sizes = [16, 1], strides = [1, 1]} : vector<16x3xf32> to vector<16x1xf32>
    %squeeze3A_213 = vector.shape_cast %slice3A_212 : vector<16x1xf32> to vector<16xf32>
    %broadcast_in_dim3A = arith.constant 0.282094806 : f32
    %broadcast_in_dim3A_214 = vector.broadcast %broadcast_in_dim3A : f32 to vector<16xf32>
    %mul3A_215 = arith.constant -0.488602519 : f32
    %mul3A_216 = vector.broadcast %mul3A_215 : f32 to vector<16xf32>
    %mul3A_217 = arith.mulf %mul3A_216, %squeeze3A_211 : vector<16xf32>
    %mul3A_218 = arith.constant 0.488602519 : f32
    %mul3A_219 = vector.broadcast %mul3A_218 : f32 to vector<16xf32>
    %mul3A_220 = arith.mulf %mul3A_219, %squeeze3A_213 : vector<16xf32>
    %mul3A_221 = arith.constant -0.488602519 : f32
    %mul3A_222 = vector.broadcast %mul3A_221 : f32 to vector<16xf32>
    %mul3A_223 = arith.mulf %mul3A_222, %squeeze3A : vector<16xf32>
    %mul3A_224 = arith.constant 1.09254849 : f32
    %mul3A_225 = vector.broadcast %mul3A_224 : f32 to vector<16xf32>
    %mul3A_226 = arith.mulf %mul3A_225, %squeeze3A : vector<16xf32>
    %mul3A_227 = arith.mulf %mul3A_226, %squeeze3A_211 : vector<16xf32>
    %mul3A_228 = arith.constant -1.09254849 : f32
    %mul3A_229 = vector.broadcast %mul3A_228 : f32 to vector<16xf32>
    %mul3A_230 = arith.mulf %mul3A_229, %squeeze3A_211 : vector<16xf32>
    %mul3A_231 = arith.mulf %mul3A_230, %squeeze3A_213 : vector<16xf32>
    %mul3A_232 = arith.constant 2.000000e+00 : f32
    %mul3A_233 = vector.broadcast %mul3A_232 : f32 to vector<16xf32>
    %mul3A_234 = arith.mulf %mul3A_233, %squeeze3A_213 : vector<16xf32>
    %mul3A_235 = arith.mulf %mul3A_234, %squeeze3A_213 : vector<16xf32>
    %mul3A_236 = arith.mulf %squeeze3A, %squeeze3A : vector<16xf32>
    %sub3A_237 = arith.subf %mul3A_235, %mul3A_236 : vector<16xf32>
    %mul3A_238 = arith.mulf %squeeze3A_211, %squeeze3A_211 : vector<16xf32>
    %sub3A_239 = arith.subf %sub3A_237, %mul3A_238 : vector<16xf32>
    %mul3A_240 = arith.constant 0.31539157 : f32
    %mul3A_241 = vector.broadcast %mul3A_240 : f32 to vector<16xf32>
    %mul3A_242 = arith.mulf %mul3A_241, %sub3A_239 : vector<16xf32>
    %mul3A_243 = arith.constant -1.09254849 : f32
    %mul3A_244 = vector.broadcast %mul3A_243 : f32 to vector<16xf32>
    %mul3A_245 = arith.mulf %mul3A_244, %squeeze3A : vector<16xf32>
    %mul3A_246 = arith.mulf %mul3A_245, %squeeze3A_213 : vector<16xf32>
    %mul3A_247 = arith.mulf %squeeze3A, %squeeze3A : vector<16xf32>
    %mul3A_248 = arith.mulf %squeeze3A_211, %squeeze3A_211 : vector<16xf32>
    %sub3A_249 = arith.subf %mul3A_247, %mul3A_248 : vector<16xf32>
    %mul3A_250 = arith.constant 0.546274245 : f32
    %mul3A_251 = vector.broadcast %mul3A_250 : f32 to vector<16xf32>
    %mul3A_252 = arith.mulf %mul3A_251, %sub3A_249 : vector<16xf32>
    %stack3A_253 = vector.shape_cast %broadcast_in_dim3A_214 : vector<16xf32> to vector<16x1xf32>
    %stack3A_254 = vector.shape_cast %mul3A_217 : vector<16xf32> to vector<16x1xf32>
    %stack3A_255 = vector.shape_cast %mul3A_220 : vector<16xf32> to vector<16x1xf32>
    %stack3A_256 = vector.shape_cast %mul3A_223 : vector<16xf32> to vector<16x1xf32>
    %stack3A_257 = vector.shape_cast %mul3A_227 : vector<16xf32> to vector<16x1xf32>
    %stack3A_258 = vector.shape_cast %mul3A_231 : vector<16xf32> to vector<16x1xf32>
    %stack3A_259 = vector.shape_cast %mul3A_242 : vector<16xf32> to vector<16x1xf32>
    %stack3A_260 = vector.shape_cast %mul3A_246 : vector<16xf32> to vector<16x1xf32>
    %stack3A_261 = vector.shape_cast %mul3A_252 : vector<16xf32> to vector<16x1xf32>
    %stack3A_262 = tpu.concatenate %stack3A_253, %stack3A_254, %stack3A_255, %stack3A_256, %stack3A_257, %stack3A_258, %stack3A_259, %stack3A_260, %stack3A_261 in 1 : vector<16x1xf32>, vector<16x1xf32>, vector<16x1xf32>, vector<16x1xf32>, vector<16x1xf32>, vector<16x1xf32>, vector<16x1xf32>, vector<16x1xf32>, vector<16x1xf32> -> vector<16x9xf32>
    %swap3A_263 = arith.constant 0 : index
    %swap3A_264 = arith.constant 0 : index
    %swap3A_265 = vector.load %arg5[%swap3A_263, %swap3A_264] : memref<16x9xf32, #tpu.memory_space<vmem>>, vector<16x9xf32>
    tpu.vector_store %arg5[%swap3A_263, %swap3A_264], %stack3A_262 {strides = array<i32>} : memref<16x9xf32, #tpu.memory_space<vmem>>, vector<16x9xf32>,
    return
  }
  func.func @transform_0(%arg0: i32) -> (i32, i32) {
    %c0_i32 = arith.constant 0 : i32
    %c0_i32_0 = arith.constant 0 : i32
    return %arg0, %c0_i32 : i32, i32
  }
  func.func @transform_1(%arg0: i32) -> (i32, i32) {
    %c0_i32 = arith.constant 0 : i32
    %c0_i32_0 = arith.constant 0 : i32
    return %arg0, %c0_i32 : i32, i32
  }
  func.func @transform_2(%arg0: i32) -> (i32, i32, i32) {
    %c0_i32 = arith.constant 0 : i32
    %c0_i32_0 = arith.constant 0 : i32
    %c0_i32_1 = arith.constant 0 : i32
    return %c0_i32, %arg0, %c0_i32_0 : i32, i32, i32
  }
  func.func @transform_3(%arg0: i32) -> (i32, i32, i32) {
    %c0_i32 = arith.constant 0 : i32
    %c0_i32_0 = arith.constant 0 : i32
    %c0_i32_1 = arith.constant 0 : i32
    return %c0_i32, %arg0, %c0_i32_0 : i32, i32, i32
  }
  func.func @transform_4(%arg0: i32) -> (i32, i32) {
    %c0_i32 = arith.constant 0 : i32
    %c0_i32_0 = arith.constant 0 : i32
    return %arg0, %c0_i32 : i32, i32
  }
}

module attributes {stable_mosaic.version = 14 : i64} {
  func.func @body(%arg0: i32, %arg1: memref<8192x27xf32, #tpu.memory_space<vmem>>, %arg2: memref<8192x1xf32, #tpu.memory_space<vmem>>, %arg3: memref<8192x32xf32, #tpu.memory_space<vmem>>) attributes {dimension_semantics = [#tpu.dimension_semantics<arbitrary>], iteration_bounds = array<i64: 256>, scalar_prefetch = 0 : i64, scratch_operands = 0 : i64, tpu.core_type = #tpu.core_type<tc>, window_params = [{transform_indices = @transform_0, window_bounds = array<i64: 8192, 27>}, {transform_indices = @transform_1, window_bounds = array<i64: 8192, 1>}, {transform_indices = @transform_2, window_bounds = array<i64: 8192, 32>}]} {
    %get3A = arith.constant 0 : index
    %get3A_0 = arith.constant 0 : index
    %get3A_1 = vector.load %arg1[%get3A, %get3A_0] : memref<8192x27xf32, #tpu.memory_space<vmem>>, vector<8192x27xf32>
    %get3A_2 = arith.constant 0 : index
    %get3A_3 = arith.constant 0 : index
    %get3A_4 = vector.load %arg2[%get3A_2, %get3A_3] : memref<8192x1xf32, #tpu.memory_space<vmem>>, vector<8192x1xf32>
    %broadcast_in_dim3A = arith.constant 0.000000e+00 : f32
    %broadcast_in_dim3A_5 = vector.broadcast %broadcast_in_dim3A : f32 to vector<8192x4xf32>
    %concatenate3A = tpu.concatenate %get3A_1, %get3A_4, %broadcast_in_dim3A_5 in 1 : vector<8192x27xf32>, vector<8192x1xf32>, vector<8192x4xf32> -> vector<8192x32xf32>
    %swap3A = arith.constant 0 : index
    %swap3A_6 = arith.constant 0 : index
    %swap3A_7 = vector.load %arg3[%swap3A, %swap3A_6] : memref<8192x32xf32, #tpu.memory_space<vmem>>, vector<8192x32xf32>
    tpu.vector_store %arg3[%swap3A, %swap3A_6], %concatenate3A {strides = array<i32>} : memref<8192x32xf32, #tpu.memory_space<vmem>>, vector<8192x32xf32>,
    return
  }
  func.func @transform_0(%arg0: i32) -> (i32, i32) {
    %c0_i32 = arith.constant 0 : i32
    %c0_i32_0 = arith.constant 0 : i32
    return %arg0, %c0_i32 : i32, i32
  }
  func.func @transform_1(%arg0: i32) -> (i32, i32) {
    %c0_i32 = arith.constant 0 : i32
    %c0_i32_0 = arith.constant 0 : i32
    return %arg0, %c0_i32 : i32, i32
  }
  func.func @transform_2(%arg0: i32) -> (i32, i32) {
    %c0_i32 = arith.constant 0 : i32
    %c0_i32_0 = arith.constant 0 : i32
    return %arg0, %c0_i32 : i32, i32
  }
}

module attributes {stable_mosaic.version = 14 : i64} {
  func.func @body(%arg0: i32, %arg1: memref<8x16x64x32xf32, #tpu.memory_space<vmem>>, %arg2: memref<8x16x64xf32, #tpu.memory_space<vmem>>, %arg3: memref<16x9xf32, #tpu.memory_space<vmem>>, %arg4: memref<16x3xf32, #tpu.memory_space<vmem>>) attributes {dimension_semantics = [#tpu.dimension_semantics<arbitrary>], iteration_bounds = array<i64: 256>, scalar_prefetch = 0 : i64, scratch_operands = 0 : i64, tpu.core_type = #tpu.core_type<tc>, window_params = [{transform_indices = @transform_0, window_bounds = array<i64: 8, 16, 64, 32>}, {transform_indices = @transform_1, window_bounds = array<i64: 8, 16, 64>}, {transform_indices = @transform_2, window_bounds = array<i64: 16, 9>}, {transform_indices = @transform_3, window_bounds = array<i64: 16, 3>}]} {
    %get3A = arith.constant 0 : index
    %get3A_0 = arith.constant 0 : index
    %get3A_1 = arith.constant 0 : index
    %get3A_2 = arith.constant 0 : index
    %get3A_3 = vector.load %arg1[%get3A, %get3A_0, %get3A_1, %get3A_2] : memref<8x16x64x32xf32, #tpu.memory_space<vmem>>, vector<8x16x64x32xf32>
    %get3A_4 = arith.constant 0 : index
    %get3A_5 = arith.constant 0 : index
    %get3A_6 = arith.constant 0 : index
    %get3A_7 = vector.load %arg2[%get3A_4, %get3A_5, %get3A_6] : memref<8x16x64xf32, #tpu.memory_space<vmem>>, vector<8x16x64xf32>
    %get3A_8 = arith.constant 0 : index
    %get3A_9 = arith.constant 0 : index
    %get3A_10 = vector.load %arg3[%get3A_8, %get3A_9] : memref<16x9xf32, #tpu.memory_space<vmem>>, vector<16x9xf32>
    %broadcast_in_dim3A = vector.shape_cast %get3A_7 : vector<8x16x64xf32> to vector<8x16x64x1xf32>
    %mul3A = vector.broadcast %broadcast_in_dim3A : vector<8x16x64x1xf32> to vector<8x16x64x32xf32>
    %mul3A_11 = arith.mulf %get3A_3, %mul3A : vector<8x16x64x32xf32>
    %reduce_sum3A = arith.constant dense<0.000000e+00> : vector<16x64x32xf32>
    %reduce_sum3A_12 = vector.multi_reduction <add>, %mul3A_11, %reduce_sum3A [0] : vector<8x16x64x32xf32> to vector<16x64x32xf32>
    %slice3A = vector.extract_strided_slice %reduce_sum3A_12 {offsets = [0, 0, 27], sizes = [16, 64, 1], strides = [1, 1, 1]} : vector<16x64x32xf32> to vector<16x64x1xf32>
    %squeeze3A = vector.shape_cast %slice3A : vector<16x64x1xf32> to vector<16x64xf32>
    %max3A = arith.constant 0.000000e+00 : f32
    %max3A_13 = vector.broadcast %max3A : f32 to vector<16x64xf32>
    %max3A_14 = arith.maximumf %squeeze3A, %max3A_13 : vector<16x64xf32>
    %neg3A = arith.constant 0.000000e+00 : f32
    %neg3A_15 = vector.broadcast %neg3A : f32 to vector<16x64xf32>
    %neg3A_16 = arith.subf %neg3A_15, %max3A_14 : vector<16x64xf32>
    %mul3A_17 = arith.constant 6.093750e-02 : f32
    %mul3A_18 = vector.broadcast %mul3A_17 : f32 to vector<16x64xf32>
    %mul3A_19 = arith.mulf %neg3A_16, %mul3A_18 : vector<16x64xf32>
    %exp3A = math.exp %mul3A_19 : vector<16x64xf32>
    %sub3A = arith.constant 1.000000e+00 : f32
    %sub3A_20 = vector.broadcast %sub3A : f32 to vector<16x64xf32>
    %sub3A_21 = arith.subf %sub3A_20, %exp3A : vector<16x64xf32>
    %sub3A_22 = arith.constant 1.000000e+00 : f32
    %sub3A_23 = vector.broadcast %sub3A_22 : f32 to vector<16x64xf32>
    %sub3A_24 = arith.subf %sub3A_23, %sub3A_21 : vector<16x64xf32>
    %add3A = arith.constant 1.000000e-10 : f32
    %add3A_25 = vector.broadcast %add3A : f32 to vector<16x64xf32>
    %add3A_26 = arith.addf %sub3A_24, %add3A_25 : vector<16x64xf32>
    %log3A = math.log %add3A_26 : vector<16x64xf32>
    %iota3A = tpu.iota {dimensions = array<i32: 0>} : vector<64x64xi32>
    %iota3A_27 = tpu.iota {dimensions = array<i32: 1>} : vector<64x64xi32>
    %lt3A = arith.cmpi slt, %iota3A, %iota3A_27 : vector<64x64xi32>
    %convert_element_type3A = arith.extui %lt3A : vector<64x64xi1> to vector<64x64xi32>
    %convert_element_type3A_28 = arith.sitofp %convert_element_type3A : vector<64x64xi32> to vector<64x64xf32>
    %dot_general3A = arith.constant dense<0.000000e+00> : vector<16x64xf32>
    %dot_general3A_29 = tpu.matmul %log3A, %convert_element_type3A_28, %dot_general3A {dimension_numbers = #tpu.dot_dimension_numbers<[1], [0], [0], [1], [0, 0, 1, 1], [], []>, precision = #tpu.contract_precision<fp32>, transpose_lhs_hint = false} : vector<16x64xf32>, vector<64x64xf32>, vector<16x64xf32> -> vector<16x64xf32>
    %exp3A_30 = math.exp %dot_general3A_29 : vector<16x64xf32>
    %mul3A_31 = arith.mulf %sub3A_21, %exp3A_30 : vector<16x64xf32>
    %slice3A_32 = vector.extract_strided_slice %reduce_sum3A_12 {offsets = [0, 0, 0], sizes = [16, 64, 9], strides = [1, 1, 1]} : vector<16x64x32xf32> to vector<16x64x9xf32>
    %broadcast_in_dim3A_33 = vector.shape_cast %get3A_10 : vector<16x9xf32> to vector<16x1x9xf32>
    %mul3A_34 = vector.broadcast %broadcast_in_dim3A_33 : vector<16x1x9xf32> to vector<16x64x9xf32>
    %mul3A_35 = arith.mulf %slice3A_32, %mul3A_34 : vector<16x64x9xf32>
    %reduce_sum3A_36 = arith.constant dense<0.000000e+00> : vector<16x64xf32>
    %reduce_sum3A_37 = vector.multi_reduction <add>, %mul3A_35, %reduce_sum3A_36 [2] : vector<16x64x9xf32> to vector<16x64xf32>
    %neg3A_38 = arith.constant 0.000000e+00 : f32
    %neg3A_39 = vector.broadcast %neg3A_38 : f32 to vector<16x64xf32>
    %neg3A_40 = arith.subf %neg3A_39, %reduce_sum3A_37 : vector<16x64xf32>
    %exp3A_41 = math.exp %neg3A_40 : vector<16x64xf32>
    %add3A_42 = arith.constant 1.000000e+00 : f32
    %add3A_43 = vector.broadcast %add3A_42 : f32 to vector<16x64xf32>
    %add3A_44 = arith.addf %add3A_43, %exp3A_41 : vector<16x64xf32>
    %div3A = arith.constant 1.000000e+00 : f32
    %div3A_45 = vector.broadcast %div3A : f32 to vector<16x64xf32>
    %div3A_46 = arith.divf %div3A_45, %add3A_44 : vector<16x64xf32>
    %mul3A_47 = arith.mulf %mul3A_31, %div3A_46 : vector<16x64xf32>
    %reduce_sum3A_48 = arith.constant dense<0.000000e+00> : vector<16xf32>
    %reduce_sum3A_49 = vector.multi_reduction <add>, %mul3A_47, %reduce_sum3A_48 [1] : vector<16x64xf32> to vector<16xf32>
    %slice3A_50 = vector.extract_strided_slice %reduce_sum3A_12 {offsets = [0, 0, 9], sizes = [16, 64, 9], strides = [1, 1, 1]} : vector<16x64x32xf32> to vector<16x64x9xf32>
    %broadcast_in_dim3A_51 = vector.shape_cast %get3A_10 : vector<16x9xf32> to vector<16x1x9xf32>
    %mul3A_52 = vector.broadcast %broadcast_in_dim3A_51 : vector<16x1x9xf32> to vector<16x64x9xf32>
    %mul3A_53 = arith.mulf %slice3A_50, %mul3A_52 : vector<16x64x9xf32>
    %reduce_sum3A_54 = arith.constant dense<0.000000e+00> : vector<16x64xf32>
    %reduce_sum3A_55 = vector.multi_reduction <add>, %mul3A_53, %reduce_sum3A_54 [2] : vector<16x64x9xf32> to vector<16x64xf32>
    %neg3A_56 = arith.constant 0.000000e+00 : f32
    %neg3A_57 = vector.broadcast %neg3A_56 : f32 to vector<16x64xf32>
    %neg3A_58 = arith.subf %neg3A_57, %reduce_sum3A_55 : vector<16x64xf32>
    %exp3A_59 = math.exp %neg3A_58 : vector<16x64xf32>
    %add3A_60 = arith.constant 1.000000e+00 : f32
    %add3A_61 = vector.broadcast %add3A_60 : f32 to vector<16x64xf32>
    %add3A_62 = arith.addf %add3A_61, %exp3A_59 : vector<16x64xf32>
    %div3A_63 = arith.constant 1.000000e+00 : f32
    %div3A_64 = vector.broadcast %div3A_63 : f32 to vector<16x64xf32>
    %div3A_65 = arith.divf %div3A_64, %add3A_62 : vector<16x64xf32>
    %mul3A_66 = arith.mulf %mul3A_31, %div3A_65 : vector<16x64xf32>
    %reduce_sum3A_67 = arith.constant dense<0.000000e+00> : vector<16xf32>
    %reduce_sum3A_68 = vector.multi_reduction <add>, %mul3A_66, %reduce_sum3A_67 [1] : vector<16x64xf32> to vector<16xf32>
    %slice3A_69 = vector.extract_strided_slice %reduce_sum3A_12 {offsets = [0, 0, 18], sizes = [16, 64, 9], strides = [1, 1, 1]} : vector<16x64x32xf32> to vector<16x64x9xf32>
    %broadcast_in_dim3A_70 = vector.shape_cast %get3A_10 : vector<16x9xf32> to vector<16x1x9xf32>
    %mul3A_71 = vector.broadcast %broadcast_in_dim3A_70 : vector<16x1x9xf32> to vector<16x64x9xf32>
    %mul3A_72 = arith.mulf %slice3A_69, %mul3A_71 : vector<16x64x9xf32>
    %reduce_sum3A_73 = arith.constant dense<0.000000e+00> : vector<16x64xf32>
    %reduce_sum3A_74 = vector.multi_reduction <add>, %mul3A_72, %reduce_sum3A_73 [2] : vector<16x64x9xf32> to vector<16x64xf32>
    %neg3A_75 = arith.constant 0.000000e+00 : f32
    %neg3A_76 = vector.broadcast %neg3A_75 : f32 to vector<16x64xf32>
    %neg3A_77 = arith.subf %neg3A_76, %reduce_sum3A_74 : vector<16x64xf32>
    %exp3A_78 = math.exp %neg3A_77 : vector<16x64xf32>
    %add3A_79 = arith.constant 1.000000e+00 : f32
    %add3A_80 = vector.broadcast %add3A_79 : f32 to vector<16x64xf32>
    %add3A_81 = arith.addf %add3A_80, %exp3A_78 : vector<16x64xf32>
    %div3A_82 = arith.constant 1.000000e+00 : f32
    %div3A_83 = vector.broadcast %div3A_82 : f32 to vector<16x64xf32>
    %div3A_84 = arith.divf %div3A_83, %add3A_81 : vector<16x64xf32>
    %mul3A_85 = arith.mulf %mul3A_31, %div3A_84 : vector<16x64xf32>
    %reduce_sum3A_86 = arith.constant dense<0.000000e+00> : vector<16xf32>
    %reduce_sum3A_87 = vector.multi_reduction <add>, %mul3A_85, %reduce_sum3A_86 [1] : vector<16x64xf32> to vector<16xf32>
    %stack3A = vector.shape_cast %reduce_sum3A_49 : vector<16xf32> to vector<16x1xf32>
    %stack3A_88 = vector.shape_cast %reduce_sum3A_68 : vector<16xf32> to vector<16x1xf32>
    %stack3A_89 = vector.shape_cast %reduce_sum3A_87 : vector<16xf32> to vector<16x1xf32>
    %stack3A_90 = tpu.concatenate %stack3A, %stack3A_88, %stack3A_89 in 1 : vector<16x1xf32>, vector<16x1xf32>, vector<16x1xf32> -> vector<16x3xf32>
    %swap3A = arith.constant 0 : index
    %swap3A_91 = arith.constant 0 : index
    %swap3A_92 = vector.load %arg4[%swap3A, %swap3A_91] : memref<16x3xf32, #tpu.memory_space<vmem>>, vector<16x3xf32>
    tpu.vector_store %arg4[%swap3A, %swap3A_91], %stack3A_90 {strides = array<i32>} : memref<16x3xf32, #tpu.memory_space<vmem>>, vector<16x3xf32>,
    return
  }
  func.func @transform_0(%arg0: i32) -> (i32, i32, i32, i32) {
    %c0_i32 = arith.constant 0 : i32
    %c0_i32_0 = arith.constant 0 : i32
    %c0_i32_1 = arith.constant 0 : i32
    %c0_i32_2 = arith.constant 0 : i32
    return %c0_i32, %arg0, %c0_i32_0, %c0_i32_1 : i32, i32, i32, i32
  }
  func.func @transform_1(%arg0: i32) -> (i32, i32, i32) {
    %c0_i32 = arith.constant 0 : i32
    %c0_i32_0 = arith.constant 0 : i32
    %c0_i32_1 = arith.constant 0 : i32
    return %c0_i32, %arg0, %c0_i32_0 : i32, i32, i32
  }
  func.func @transform_2(%arg0: i32) -> (i32, i32) {
    %c0_i32 = arith.constant 0 : i32
    %c0_i32_0 = arith.constant 0 : i32
    return %arg0, %c0_i32 : i32, i32
  }
  func.func @transform_3(%arg0: i32) -> (i32, i32) {
    %c0_i32 = arith.constant 0 : i32
    %c0_i32_0 = arith.constant 0 : i32
    return %arg0, %c0_i32 : i32, i32
  }
}

</mosaic_0001>

<sc_bundles>
// kernel: kernel.6.cloned.1.call-start
scs
__scs_entry_jumppad:
0x0: {  	(pc) =	sbr.rel $0x88, $3  }
0x1: {  	(tag) =	ssettag $0x0;
	lr =	simm.s32 $0x1  }
0x2: {  	[smem:$0x3F9D] =	sst lr;
	_ =	strace $0xD0000000  }
0x3: {  	_ = 	snop  }
0x4: {  	_ = 	snop  }
0x5: {  	_ = 	snop  }
0x6: {  	_ = 	snop  }
0x7: {  	_ = 	snop  }
__scs_overlays_trampoline_lowered:
0x8: {  	[smem:$0x3FAC] =	sst s0  }
0x9: {  	[smem:$0x3FAD] =	sst s1  }
0xa: {  	[smem:$0x3FAE] =	sst s2  }
0xb: {  	[smem:$0x3FAF] =	sst s3  }
0xc: {  	[smem:$0x3FB0] =	sst s4  }
0xd: {  	[smem:$0x3FB1] =	sst s5  }
0xe: {  	[smem:$0x3FB2] =	sst s6  }
0xf: {  	[smem:$0x3FB3] =	sst s7  }
0x10: {  	[smem:$0x3FB4] =	sst s8  }
0x11: {  	[smem:$0x3FB5] =	sst s9;
	s0 =	simm.s32 @!p0 $0x0  }
0x12: {  	s1 =	sld [smem:$0x3F9B];
	s0 =	simm.s32 @p0 $0x1  }
0x13: {  	[smem:$0x3FB6] =	sst s0;
	s0 =	simm.s32 @!p1 $0x0  }
0x14: {  	s2 =	sld [smem:$0x3F9A];
	s0 =	simm.s32 @p1 $0x1  }
0x15: {  	[smem:$0x3FB7] =	sst s0;
	s0 =	simm.s32 @!p2 $0x0  }
0x16: {  	s3 =	sld [smem:$0x3FDB];
	s0 =	simm.s32 @p2 $0x1  }
0x17: {  	s4 =	simm.s32 $0x1BF5;
	[smem:$0x3FB9] =	sst s0  }
0x18: {  	s0 =	sld [smem:$0x3F9C];
	_ =	swait.ge [sflag:s4], $0x0  }
0x19: {  	s7 =	sld [smem:$0x3F9D]  }
0x1a: {  	s8 =	sadd.s32 $0xFFFFE003, lr  }
0x1b: {  	s9 =	sadd.s32 $0xFFFFFEF7, lr;
	s5 =	simm.s32 $0xFFFFFFFF;
	p2 =	slt.u32 s8, $0xFFFFF086  }
0x1c: {  	p1 =	slt.u32 s9, $0xF7A;
	s5 =	simm.s32 @!p2 $0x0  }
0x1d: {  	s5 =	simm.s32 @p1 $0x1;
	p0 =	seq.s32 s7, s2  }
0x1e: {  	s7 =	smul.u32 @!p0 $0xF7A, s2;
	p2 =	seq.s32 @!p0 s5, $0x0  }
0x1f: {  	s9 =	smul.u32 $0xF7A, s1;
	s8 =	simm.s32 @!p0 $0x1BF5;
	p2 =	por !p2, p0  }
0x20: {  	[sflag:s8] =	ssyncset.s32 @!p0 $0xFFFFF086;
	s6 =	sadd.s32 @!p0 s3, s7;
	s7 =	simm.s32 @!p0 $0x108  }
0x21: {  	s3 =	sadd.s32 s3, s9;
	s6 =	sadd.s32 @!p0 $0x88, s6;
	s7 =	simm.s32 @p2 $0x1082  }
0x22: {  	[simem:s7], [sflag:s8] =	dma.local @!p0 [hbm:s6], $0xF7A  }
0x23: {  	s9 =	sor.u32 $0xD0000000, s2;
	s6 =	simm.s32 $0x108;
	_ =	swait.ge @!p0 [sflag:s8], $0x0  }
0x24: {  	s3 =	sadd.s32 $0x88, s3;
	s6 =	simm.s32 @!p1 $0x1082;
	[sflag:s4] =	ssyncset.s32 $0xFFFFF086  }
0x25: {  	[simem:s6], [sflag:s4] =	dma.local [hbm:s3], $0xF7A  }
0x26: {  	[smem:$0x3F9D] =	sst s1;
	(tag) =	ssettag s2;
	_ =	strace s9  }
0x27: {  	s1 =	sld [smem:$0x3FAD]  }
0x28: {  	s2 =	sld [smem:$0x3FAE]  }
0x29: {  	s4 =	sld [smem:$0x3FB0]  }
0x2a: {  	p0 =	seq.s32 s5, $0x0;
	s5 =	sld [smem:$0x3FB1]  }
0x2b: {  	s6 =	sld [smem:$0x3FB2]  }
0x2c: {  	s7 =	sld [smem:$0x3FB3]  }
0x2d: {  	s3 =	simm.s32 $0x108;
	s8 =	sld [smem:$0x3FB4]  }
0x2e: {  	s3 =	simm.s32 @!p0 $0x1082;
	s9 =	sld [smem:$0x3FB5]  }
0x2f: {  	lr =	sadd.s32 s0, s3;
	s0 =	sld [smem:$0x3FAC]  }
0x30: {  	s3 =	sld [smem:$0x3FAF]  }
0x31: {  	[smem:$0x3FB8] =	sst s10  }
0x32: {  	s10 =	sld [smem:$0x3FB6];
	_ =	sdelay $0x3  }
0x33: {  	p0 =	seq.s32 s10, $0x1;
	s10 =	sld [smem:$0x3FB8];
	_ =	sdelay $0x3  }
0x34: {  	[smem:$0x3FB8] =	sst s10  }
0x35: {  	s10 =	sld [smem:$0x3FB7];
	_ =	sdelay $0x3  }
0x36: {  	p1 =	seq.s32 s10, $0x1;
	s10 =	sld [smem:$0x3FB8];
	_ =	sdelay $0x3  }
0x37: {  	[smem:$0x3FB8] =	sst s10  }
0x38: {  	s10 =	sld [smem:$0x3FB9]  }
0x39: {  	_ = 	snop;
	(pc) =	sbr.ind lr, $3  }
0x3a: {  	_ = 	snop  }
0x3b: {  	_ = 	snop  }
0x3c: {  	p2 =	seq.s32 s10, $0x1;
	s10 =	sld [smem:$0x3FB8]  }
0x3d: {  	_ =	shalt  }
0x3e: {  	_ =	shalt  }
0x3f: {  	_ =	shalt  }
0x40: {  	_ =	shalt  }
0x41: {  	_ =	shalt  }
0x42: {  	_ =	shalt  }
0x43: {  	_ =	shalt  }
0x44: {  	_ =	shalt  }
0x45: {  	_ =	shalt  }
0x46: {  	_ =	shalt  }
0x47: {  	_ =	shalt  }
0x48: {  	_ =	shalt  }
0x49: {  	_ =	shalt  }
0x4a: {  	_ =	shalt  }
0x4b: {  	_ =	shalt  }
0x4c: {  	_ =	shalt  }
0x4d: {  	_ =	shalt  }
0x4e: {  	_ =	shalt  }
0x4f: {  	_ =	shalt  }
0x50: {  	_ =	shalt  }
0x51: {  	_ =	shalt  }
0x52: {  	_ =	shalt  }
0x53: {  	_ =	shalt  }
0x54: {  	_ =	shalt  }
0x55: {  	_ =	shalt  }
0x56: {  	_ =	shalt  }
0x57: {  	_ =	shalt  }
0x58: {  	_ =	shalt  }
0x59: {  	_ =	shalt  }
0x5a: {  	_ =	shalt  }
0x5b: {  	_ =	shalt  }
0x5c: {  	_ =	shalt  }
0x5d: {  	_ =	shalt  }
0x5e: {  	_ =	shalt  }
0x5f: {  	_ =	shalt  }
0x60: {  	_ =	shalt  }
0x61: {  	_ =	shalt  }
0x62: {  	_ =	shalt  }
0x63: {  	_ =	shalt  }
0x64: {  	_ =	shalt  }
0x65: {  	_ =	shalt  }
0x66: {  	_ =	shalt  }
0x67: {  	_ =	shalt  }
0x68: {  	_ =	shalt  }
0x69: {  	_ =	shalt  }
0x6a: {  	_ =	shalt  }
0x6b: {  	_ =	shalt  }
0x6c: {  	_ =	shalt  }
0x6d: {  	_ =	shalt  }
0x6e: {  	_ =	shalt  }
0x6f: {  	_ =	shalt  }
0x70: {  	_ =	shalt  }
0x71: {  	_ =	shalt  }
0x72: {  	_ =	shalt  }
0x73: {  	_ =	shalt  }
0x74: {  	_ =	shalt  }
0x75: {  	_ =	shalt  }
0x76: {  	_ =	shalt  }
0x77: {  	_ =	shalt  }
0x78: {  	_ =	shalt  }
0x79: {  	_ =	shalt  }
0x7a: {  	_ =	shalt  }
0x7b: {  	_ =	shalt  }
0x7c: {  	_ =	shalt  }
0x7d: {  	_ =	shalt  }
0x7e: {  	_ =	shalt  }
0x7f: {  	_ =	shalt  }
0x80: {  	_ =	shalt  }
0x81: {  	_ =	shalt  }
0x82: {  	_ =	shalt  }
0x83: {  	_ =	shalt  }
0x84: {  	_ =	shalt  }
0x85: {  	_ =	shalt  }
0x86: {  	_ =	shalt  }
0x87: {  	_ =	shalt  }
.Lfunc_end0:
.L_simem_size_0:
called_computation_lowered:
.L_overlay_start_0:
0x88: {  	s2 =	sld [smem:$0x3FD9]  }
0x89: {  	s3 =	sld [smem:$0x3FFE];
	_ =	sdelay $0x1  }
0x8a: {  	s1 =	srdreg.scid  }
0x8b: {  	s0 =	sand.u32 $0x1, s1  }
0x8c: {  	s16 =	sshll.u32 s0, $0xA;
	s2 =	sadd.s32 s3, s2  }
0x8d: {  	s2 =	sadd.s32 s2, s16  }
0x8e: {  	[smem:$0x3FC4] =	sst s2  }
0x8f: {  	_ = 	snop  }
0x90: {  	(tm) =	ssettm $0x1  }
0x91: {  	s17 =	sld [smem:$0x3FFB];
	_ =	sdelay $0x3  }
0x92: {  	_ =	strace s17  }
0x93: {  	s2 =	sld [smem:$0x3FFC];
	_ =	sdelay $0x3  }
0x94: {  	_ =	strace s2  }
0x95: {  	s2 =	sld [smem:$0x3FFD];
	_ =	sdelay $0x3  }
0x96: {  	_ =	strace s2  }
0x97: {  	_ =	strace $0x8FFFFFFF  }
0x98: {  	s18 =	sld [smem:$0x3FDB];
	_ =	sdelay $0x1  }
0x99: {  	s19 =	simm.s32 $_scs_section_size  }
0x9a: {  	s4 =	simm.s32 $_size__tile_overlayer_lowered;
	s5 =	simm.s32 $_tile_overlayer_lowered  }
0x9b: {  	s22 =	simm.s32 $0x1BFF;
	s21 =	sshll.u32 s5, $0x1;
	s2 =	sadd.s32 s19, s18  }
0x9c: {  	s6 =	simm.s32 $0x0;
	s20 =	sshll.u32 s4, $0x1;
	s4 =	sadd.s32 s21, s2  }
0x9d: {  	[timem:s6], [sflag:s22] =	dma.local [hbm:s4], s20  }
0x9e: {  	_ =	swait.ge [sflag:s22], s20  }
0x9f: {  	s3 =	ssub.s32 $0x0, s20;
	[sflag:s22] =	ssyncset.done $0x0  }
0xa0: {  	[sflag:s22] =	ssyncadd.s32 s3;
	_ =	sdelay $0x1  }
0xa1: {  	s23 =	simm.s32 $0x1B8B  }
0xa2: {  	_ =	swait.ge [sflag:s23], $0x1  }
0xa3: {  	[sflag:s23] =	ssyncset.done $0x0  }
0xa4: {  	s25 =	simm.s32 $0x1B8E;
	s24 =	sld [smem:$0x3FFE];
	[sflag:s23] =	ssyncadd.s32 $0xFFFFFFFF  }
0xa5: {  	s26 =	simm.s32 $execute0_lowered;
	[smem:$0x3FD2] =	sst s25  }
0xa6: {  	s4 =	sshll.u32 s26, $0x1;
	_ =	strace $0x80000046;
	[dreg:$0x1] =	wrdreg $0xFFFFFFFF  }
0xa7: {  	s28 =	simm.s32 $_size_execute0_lowered;
	s2 =	sadd.s32 s2, s4;
	[dreg:$0x0] =	wrdreg $0x0  }
0xa8: {  	s4 =	sshll.u32 s28, $0x1;
	[dreg:$0x2] =	wrdreg s2  }
0xa9: {  	[dreg:$0x3] =	wrdreg s4  }
0xaa: {  	[dreg:$0x4] =	wrdreg $0xC0  }
0xab: {  	_ =	task [dreg:s6], $0x5FFFF  }
0xac: {  	[dreg:$0x1] =	wrdreg $0xFFFFFFFF  }
0xad: {  	[dreg:$0x0] =	wrdreg $0x60  }
0xae: {  	[dreg:$0x2] =	wrdreg s24  }
0xaf: {  	[dreg:$0x3] =	wrdreg $0x9  }
0xb0: {  	_ =	task.clear_ibuf [dreg:s6], $0x4FFFF;
	_ =	strace $0x90000046  }
0xb1: {  	s29 =	simm.s32 $0x9;
	_ =	strace $0x80000048  }
0xb2: {  	_ =	swait.ge [sflag:s29], $0x1  }
0xb3: {  	[sflag:s29] =	ssyncadd.s32 $0xFFFFFFFF  }
0xb4: {  	_ =	strace $0x90000048  }
0xb5: {  	_ =	sfence  }
0xb6: {  	s30 =	sld [smem:$0x0];
	_ =	sdelay $0x2  }
0xb7: {  	s31 =	sshll.u32 s1, $0xD;
	s1 =	sshrl.u32 s1, $0x2  }
0xb8: {  	s3 =	sand.u32 $0x4000, s31;
	s1 =	sadd.s32 s1, s30  }
0xb9: {  	s0 =	sor.u32 s3, s0;
	s1 =	sshll.u32 s1, $0x11  }
0xba: {  	s0 =	sor.u32 s1, s0  }
0xbb: {  	s0 =	sadd.s32 $0x8F2B, s0  }
0xbc: {  	[sflag:s0] =	ssyncadd.remote.s32 $0x1  }
0xbd: {  	_ =	sfence.sel $0xFFFF  }
0xbe: {  	[dreg:$0x0] =	wrdreg $0xFFFFFFFF;
	(pc) =	sbr.abs _section_cstart, $3  }
0xbf: {  	[dreg:$0x1] =	wrdreg $0xFFFFFFFF  }
0xc0: {  	_ =	task.clear_ibuf [dreg:s6], $0x2FFFF;
	_ =	strace $0x9FFFFFFF  }
0xc1: {  	(tm) =	ssettm $0x7FFFFFFF  }
tec
execute0_lowered:
.L_overlay_start_1:
0x0: {  	(tag) =	ssettag $0x1  }
0x1: {  	s3 =	rddreg [dreg:$0x0];
	s2 =	srdreg.scid  }
0x2: {  	s0 =	rddreg [dreg:$0x1];
	s1 =	stileid.u32  }
0x3: {  	s9 =	simm.s32 $0x1;
	s10 =	simm.s32 $0x0;
	s4 =	sand.u32 $0x1, s2  }
0x4: {  	s2 =	simm.s32 $0x0;
	s5 =	sshll.u32 s1, $0x11;
	s30 =	sshll.u32 s1, $0x13  }
0x5: {  	s6 =	sshll.u32 s4, $0x10;
	[smem:$0x7FF] =	sst s2;
	s29 =	ssub.s32 $0x2, s4  }
0x6: {  	s31 =	sshll.u32 s4, $0x12;
	s5 =	sor.u32 s6, s5;
	s8 =	sshrl.u32 s29, $0x1  }
0x7: {  	_ =	strace $0x80000047;
	s5 =	sshrl.u32 s5, $0x3;
	s6 =	ssub.s32 s29, s8  }
0x8: {  	s8 =	simm.s32 $0x800;
	s7 =	sadd.s32 s5, s3;
	s5 =	sadd.s32 s30, s3  }
0x9: {  	s3 =	sadd.s32 $0x1000, s3;
	s4 =	smax.u32 s6, $0x1;
	s5 =	sadd.s32 s31, s5  }
0xa: {  	s6 =	sadd.s32 $0x911000, s7;
	s7 =	simm.s32 $0x2;
	s5 =	sadd.s32 $0x951000, s5  }
.LBB2_1:
0xb: {  	s11 =	sadd.s32 $0x0, s6  }
0xc: {  	[tilespmem:s2], [sflag:$0x2] =	stream.linear.gather [hbm4b:s11+s2], $0x800, $0x38;
	[tilespmem:$0x10800] =	vst v63  }
0xd: {  	_ =	swait.ge [sflag:s7], $0x800  }
0xe: {  	[sflag:s7] =	ssyncset.done $0x0  }
0xf: {  	[sflag:s7] =	ssyncadd.s32 $0xFFFFF800  }
0x10: {  	[tilespmem:s8], [sflag:$0x1] =	stream.indirect.gather [hbm4b:s3+s8], $0x20, s2, s8, $0xb8;
	[tilespmem:$0x10800] =	vst v63  }
0x11: {  	_ =	swait.ge [sflag:s9], $0x10000  }
0x12: {  	[sflag:s9] =	ssyncset.done $0x0  }
0x13: {  	[sflag:s9] =	ssyncadd.s32 $0xFFFF0000  }
0x14: {  	[hbm4b:s5+s2] =	stream.linear.scatter [tilespmem:s8], [sflag:$0x2], $0x10000, $0x38;
	[tilespmem:$0x10800] =	vst v63  }
0x15: {  	s12 =	simm.s32 $0x100;
	_ =	swait.ge [sflag:s7], $0x10000  }
0x16: {  	s13 =	simm.s32 $0x200;
	s11 =	sadd.s32 $0x2000, s5;
	[sflag:s7] =	ssyncset.done $0x0  }
.LBB2_2:
0x17: {  	s14 =	sadd.s32 s12, s6  }
0x18: {  	[sflag:s7] =	ssyncadd.s32 $0xFFFF0000;
	s12 =	smov.u32 s13;
	s15 =	sadd.s32 $0x100, s13  }
0x19: {  	[tilespmem:s2], [sflag:$0x2] =	stream.linear.gather [hbm4b:s14+s2], $0x800, $0x38;
	[tilespmem:$0x10800] =	vst v63  }
0x1a: {  	p0 =	sne.s32 s13, $0x1F00;
	_ =	swait.ge [sflag:s7], $0x800  }
0x1b: {  	[sflag:s7] =	ssyncset.done $0x0  }
0x1c: {  	[sflag:s7] =	ssyncadd.s32 $0xFFFFF800  }
0x1d: {  	[tilespmem:s8], [sflag:$0x1] =	stream.indirect.gather [hbm4b:s3+s8], $0x20, s2, s8, $0xb8;
	[tilespmem:$0x10800] =	vst v63  }
0x1e: {  	_ =	swait.ge [sflag:s9], $0x10000  }
.Ltmp0:
0x1f: {  	[sflag:s9] =	ssyncset.done $0x0;
	(pc) =	sbr.rel @p0 .LBB2_2-.Ltmp0, $4  }
0x20: {  	[sflag:s9] =	ssyncadd.s32 $0xFFFF0000  }
0x21: {  	[hbm4b:s11+s2] =	stream.linear.scatter [tilespmem:s8], [sflag:$0x2], $0x10000, $0x38;
	[tilespmem:$0x10800] =	vst v63  }
0x22: {  	_ =	swait.ge [sflag:s7], $0x10000  }
0x23: {  	s13 =	smov.u32 s15;
	s11 =	sadd.s32 $0x2000, s11;
	[sflag:s7] =	ssyncset.done $0x0  }
0x24: {  	s12 =	sadd.s32 s12, s6;
	[sflag:s7] =	ssyncadd.s32 $0xFFFF0000  }
0x25: {  	[tilespmem:s2], [sflag:$0x2] =	stream.linear.gather [hbm4b:s12+s2], $0x800, $0x38;
	[tilespmem:$0x10800] =	vst v63  }
0x26: {  	_ =	swait.ge [sflag:s7], $0x800  }
0x27: {  	[sflag:s7] =	ssyncset.done $0x0  }
0x28: {  	[sflag:s7] =	ssyncadd.s32 $0xFFFFF800  }
0x29: {  	[tilespmem:s8], [sflag:$0x1] =	stream.indirect.gather [hbm4b:s3+s8], $0x20, s2, s8, $0xb8;
	[tilespmem:$0x10800] =	vst v63  }
0x2a: {  	s10 =	sadd.s32 $0x1, s10;
	_ =	swait.ge [sflag:s9], $0x10000  }
0x2b: {  	p0 =	sne.s32 s10, s4;
	[sflag:s9] =	ssyncset.done $0x0  }
.Ltmp1:
0x2c: {  	[sflag:s9] =	ssyncadd.s32 $0xFFFF0000;
	(pc) =	sbr.rel @p0 .LBB2_1-.Ltmp1, $4  }
0x2d: {  	[hbm4b:s11+s2] =	stream.linear.scatter [tilespmem:s8], [sflag:$0x2], $0x10000, $0x38;
	[tilespmem:$0x10800] =	vst v63  }
0x2e: {  	_ =	swait.ge [sflag:s7], $0x10000  }
0x2f: {  	[sflag:s7] =	ssyncset.done $0x0  }
0x30: {  	[sflag:s7] =	ssyncadd.s32 $0xFFFF0000  }
0x31: {  	_ =	sfence.sel $0x180000  }
0x32: {  	[bflag:$0x0] =	sbarrier.arrive $0xFFFF  }
0x33: {  	p0 =	sne.s32 s1, $0x0;
	_ =	strace $0x90000047  }
0x34: {  	s0 =	sadd.s32 @!p0 $0x100000, s0;
	[bflag:$0x2] =	sbarrier.arrive $0xFFFF  }
0x35: {  	[sflag:s0] =	ssyncadd.tile.s32 @!p0 $0x1;
	_ =	shalt  }
.Lfunc_end2:
_tile_overlayer_lowered:
.L_overlay_start_2:
0x36: {  	(tag) =	ssettag $0x2  }
0x37: {  	s0 =	rddreg [dreg:$0x0];
	s2 =	stileid.u32  }
0x38: {  	s1 =	rddreg [dreg:$0x1];
	p0 =	sne.s32 s2, $0x0  }
0x39: {  	s3 =	rddreg [dreg:$0x2];
	[bflag:$0x3] =	sbarrier.arrive $0xFFFF;
	s2 =	simm.s32 @!p0 $0x1C02  }
0x3a: {  	[timem:s3], [sflag:s2] =	dma.local @!p0 [hbm:s0], s1  }
0x3b: {  	s0 =	simm.s32 @!p0 $0x2  }
0x3c: {  	_ =	swait.ge @!p0 [sflag:s0], s1  }
0x3d: {  	s1 =	ssub.s32 @!p0 $0x0, s1;
	[sflag:s0] =	ssyncset.done @!p0 $0x0  }
0x3e: {  	[sflag:s0] =	ssyncadd.s32 @!p0 s1  }
0x3f: {  	[bflag:$0x3] =	sbarrier.arrive $0xFFFF  }
0x40: {  	_ =	shalt  }

</sc_bundles>
